<compile_context>
chip_gen: v7x
topology: tpu7x:2x2x1
jax: 0.10.2.dev20260603
libtpu: 0.0.44.dev20260713+nightly
codegen_flags: <defaults>
</compile_context>

<pallas_src>
import functools

import jax
import jax.numpy as jnp
from jax import lax
from jax.experimental import pallas as pl
from jax.experimental.pallas import tpu as pltpu
from jax.experimental.pallas import tpu_sc as plsc

B = 16384
NS, L = 16, 16
ROWS = B // NS
OUT_W = ROWS * 4

_mesh = plsc.VectorSubcoreMesh(
    core_axis_name="c", subcore_axis_name="s", num_cores=1
)


@functools.partial(
    pl.kernel,
    out_type=jax.ShapeDtypeStruct((B * 4,), jnp.float32),
    mesh=_mesh,
    scratch_types=[
        pltpu.VMEM((ROWS,), jnp.float32),
        pltpu.VMEM((OUT_W,), jnp.float32),
    ],
    compiler_params=pltpu.CompilerParams(
        needs_layout_passes=False, skip_device_barrier=True
    ),
)
def _build_tril(vec_hbm, out_hbm, v_vmem, o_vmem):
    sid = lax.axis_index("s")
    pltpu.sync_copy(vec_hbm.at[pl.ds(sid * ROWS, ROWS)], v_vmem)
    lane = lax.iota(jnp.int32, L)
    m = lane % 4
    const = jnp.where((m == 0) | (m == 3), 1.0, 0.0).astype(jnp.float32)

    @plsc.parallel_loop(0, ROWS // L, unroll=2)
    def group(g):
        base = g * (4 * L)
        for k in range(4):
            o_vmem[pl.ds(base + k * L, L)] = const
        v = v_vmem[pl.ds(g * L, L)]
        plsc.store_scatter(o_vmem, [lane * 4 + (base + 2)], v)
    pltpu.sync_copy(o_vmem, out_hbm.at[pl.ds(sid * OUT_W, OUT_W)])


def kernel(vec):
    flat = _build_tril(vec.reshape(-1))
    return flat.reshape(B, 2, 2)

# --- scband reference (transcript-rebuilt; emitter-appended) ---
"""Pipeline reference for scband-vector-to-triangular-matrix-73057393705094 (READ-ONLY COPY).

The authoritative reference and input builder live on the scoring server;
editing this copy changes nothing except your own understanding.
"""

import jax, jax.numpy as jnp
import numpy as np

N = 2

def setup_inputs(seed: int = 0) -> dict:
    key = jax.random.key(seed)
    vec = jax.random.normal(key, (16384, 1), dtype=jnp.float32)
    return {"vec": vec}

def reference(vec):
    B = vec.shape[0]
    L = jnp.zeros((B, N, N), dtype=vec.dtype)
    # strict lower-triangular indices of a 2x2 matrix (offset=-1): only (1, 0)
    tril_r, tril_c = np.tril_indices(N, k=-1)
    vec_reshaped = vec.reshape(B, 1)
    # scatter-overwrite off-diagonal entries
    L = L.at[:, tril_r, tril_c].set(vec_reshaped)
    # scatter-overwrite unit diagonal
    diag = jnp.arange(N)
    L = L.at[:, diag, diag].set(1.0)
    return L

if __name__ == "__main__":
    import jax
    _d = setup_inputs()
    print(jax.jit(kernel)(*tuple(_d.values())))

</pallas_src>

<mosaic_0001>
#map = affine_map<(d0, d1) -> (0)>
module attributes {stable_mosaic.version = 14 : i64} {
  func.func @_build_tril(%arg0: i32, %arg1: i32, %arg2: memref<16384xf32, #tpu.memory_space<hbm>>, %arg3: memref<65536xf32, #tpu.memory_space<hbm>>, %arg4: memref<1024xf32, #tpu.memory_space<vmem>>, %arg5: memref<4096xf32, #tpu.memory_space<vmem>>) attributes {dimension_semantics = [#tpu.dimension_semantics<core_parallel>, #tpu.dimension_semantics<subcore_parallel>], iteration_bounds = array<i64: 1, 16>, scalar_prefetch = 0 : i64, scratch_operands = 2 : i64, tpu.core_type = #tpu.core_type<sc_vector_subcore>, window_params = [{transform_indices = #map}, {transform_indices = #map}]} {
    %mul3A = arith.constant 1024 : i32
    %mul3A_0 = arith.muli %arg1, %mul3A : i32
    "tpu.region"() ({
      %run_scoped3A = tpu.sem_alloc : memref<!tpu.dma_semaphore, #tpu.memory_space<semaphore_mem>>
      %dma_start3A = tpu.memref_slice %arg2[%mul3A_0] : memref<16384xf32, #tpu.memory_space<hbm>> -> memref<1024xf32, #tpu.memory_space<hbm>>
      %dma_start3A_29 = tpu.memref_slice %arg2[%mul3A_0] : memref<16384xf32, #tpu.memory_space<hbm>> -> memref<1024xf32, #tpu.memory_space<hbm>>
      tpu.enqueue_dma source(%dma_start3A_29 : memref<1024xf32, #tpu.memory_space<hbm>>) target(%arg4 : memref<1024xf32, #tpu.memory_space<vmem>>) target_semaphore(%run_scoped3A : memref<!tpu.dma_semaphore, #tpu.memory_space<semaphore_mem>>)
      %dma_wait3A = tpu.memref_slice %arg2[%mul3A_0] : memref<16384xf32, #tpu.memory_space<hbm>> -> memref<1024xf32, #tpu.memory_space<hbm>>
      %dma_wait3A_30 = tpu.memref_slice %arg2[%mul3A_0] : memref<16384xf32, #tpu.memory_space<hbm>> -> memref<1024xf32, #tpu.memory_space<hbm>>
      tpu.wait_dma2 semaphore(%run_scoped3A : memref<!tpu.dma_semaphore, #tpu.memory_space<semaphore_mem>>) src(%dma_wait3A_30 : memref<1024xf32, #tpu.memory_space<hbm>>) dst(%arg4 : memref<1024xf32, #tpu.memory_space<vmem>>)
      tpu.yield
    }) : () -> ()
    %iota3A = tpu.iota {dimensions = array<i32: 0>} : vector<16xi32>
    %jit3A = arith.constant 4 : i32
    %eq3A = arith.constant 0 : i32
    %eq3A_1 = arith.cmpi eq, %jit3A, %eq3A : i32
    %jit3A_2 = arith.constant 1 : i32
    %select_n3A = arith.select %eq3A_1, %jit3A_2, %jit3A : i32
    %rem3A = vector.broadcast %select_n3A : i32 to vector<16xi32>
    %rem3A_3 = arith.remsi %iota3A, %rem3A : vector<16xi32>
    %ne3A = arith.constant 0 : i32
    %ne3A_4 = vector.broadcast %ne3A : i32 to vector<16xi32>
    %ne3A_5 = arith.cmpi ne, %rem3A_3, %ne3A_4 : vector<16xi32>
    %lt3A = arith.constant 0 : i32
    %lt3A_6 = vector.broadcast %lt3A : i32 to vector<16xi32>
    %lt3A_7 = arith.cmpi slt, %rem3A_3, %lt3A_6 : vector<16xi32>
    %lt3A_8 = arith.constant 0 : i32
    %lt3A_9 = arith.cmpi slt, %select_n3A, %lt3A_8 : i32
    %ne3A_10 = vector.broadcast %lt3A_9 : i1 to vector<16xi1>
    %ne3A_11 = vector.broadcast %ne3A_10 : vector<16xi1> to vector<16xi1>
    %ne3A_12 = arith.xori %lt3A_7, %ne3A_11 : vector<16xi1>
    %and3A = arith.andi %ne3A_12, %ne3A_5 : vector<16xi1>
    %add3A = vector.broadcast %select_n3A : i32 to vector<16xi32>
    %add3A_13 = arith.addi %rem3A_3, %add3A : vector<16xi32>
    %select_n3A_14 = arith.select %and3A, %add3A_13, %rem3A_3 : vector<16xi1>, vector<16xi32>
    %eq3A_15 = arith.constant 0 : i32
    %eq3A_16 = vector.broadcast %eq3A_15 : i32 to vector<16xi32>
    %eq3A_17 = arith.cmpi eq, %select_n3A_14, %eq3A_16 : vector<16xi32>
    %eq3A_18 = arith.constant 3 : i32
    %eq3A_19 = vector.broadcast %eq3A_18 : i32 to vector<16xi32>
    %eq3A_20 = arith.cmpi eq, %select_n3A_14, %eq3A_19 : vector<16xi32>
    %or3A = arith.ori %eq3A_17, %eq3A_20 : vector<16xi1>
    %jit3A_21 = arith.constant 1.000000e+00 : f32
    %jit3A_22 = arith.constant 0.000000e+00 : f32
    %broadcast_in_dim3A = vector.broadcast %jit3A_21 : f32 to vector<16xf32>
    %broadcast_in_dim3A_23 = vector.broadcast %jit3A_22 : f32 to vector<16xf32>
    %select_n3A_24 = arith.select %or3A, %broadcast_in_dim3A, %broadcast_in_dim3A_23 : vector<16xi1>, vector<16xf32>
    %parallel_loop3A = arith.constant 0 : i32
    %parallel_loop3A_25 = arith.constant 64 : i32
    %parallel_loop3A_26 = arith.constant 1 : i32
    scf.for %parallel_loop3A_29 = %parallel_loop3A to %parallel_loop3A_25 step %parallel_loop3A_26  : i32 {
      %parallel_loop3A_30 = arith.constant 64 : i32
      %parallel_loop3A_31 = arith.muli %parallel_loop3A_29, %parallel_loop3A_30 : i32
      %parallel_loop3A_32 = arith.constant 0 : i32
      %parallel_loop3A_33 = arith.addi %parallel_loop3A_31, %parallel_loop3A_32 : i32
      %parallel_loop3A_34 = arith.index_cast %parallel_loop3A_33 : i32 to index
      %parallel_loop3A_35 = tpu.vector_load %arg5[%parallel_loop3A_34] {strides = array<i32>} : memref<4096xf32, #tpu.memory_space<vmem>>, vector<16xf32>,
      tpu.vector_store %arg5[%parallel_loop3A_34], %select_n3A_24 {strides = array<i32>} : memref<4096xf32, #tpu.memory_space<vmem>>, vector<16xf32>,
      %parallel_loop3A_36 = arith.constant 16 : i32
      %parallel_loop3A_37 = arith.addi %parallel_loop3A_31, %parallel_loop3A_36 : i32
      %parallel_loop3A_38 = arith.index_cast %parallel_loop3A_37 : i32 to index
      %parallel_loop3A_39 = tpu.vector_load %arg5[%parallel_loop3A_38] {strides = array<i32>} : memref<4096xf32, #tpu.memory_space<vmem>>, vector<16xf32>,
      tpu.vector_store %arg5[%parallel_loop3A_38], %select_n3A_24 {strides = array<i32>} : memref<4096xf32, #tpu.memory_space<vmem>>, vector<16xf32>,
      %parallel_loop3A_40 = arith.constant 32 : i32
      %parallel_loop3A_41 = arith.addi %parallel_loop3A_31, %parallel_loop3A_40 : i32
      %parallel_loop3A_42 = arith.index_cast %parallel_loop3A_41 : i32 to index
      %parallel_loop3A_43 = tpu.vector_load %arg5[%parallel_loop3A_42] {strides = array<i32>} : memref<4096xf32, #tpu.memory_space<vmem>>, vector<16xf32>,
      tpu.vector_store %arg5[%parallel_loop3A_42], %select_n3A_24 {strides = array<i32>} : memref<4096xf32, #tpu.memory_space<vmem>>, vector<16xf32>,
      %parallel_loop3A_44 = arith.constant 48 : i32
      %parallel_loop3A_45 = arith.addi %parallel_loop3A_31, %parallel_loop3A_44 : i32
      %parallel_loop3A_46 = arith.index_cast %parallel_loop3A_45 : i32 to index
      %parallel_loop3A_47 = tpu.vector_load %arg5[%parallel_loop3A_46] {strides = array<i32>} : memref<4096xf32, #tpu.memory_space<vmem>>, vector<16xf32>,
      tpu.vector_store %arg5[%parallel_loop3A_46], %select_n3A_24 {strides = array<i32>} : memref<4096xf32, #tpu.memory_space<vmem>>, vector<16xf32>,
      %parallel_loop3A_48 = arith.constant 16 : i32
      %parallel_loop3A_49 = arith.muli %parallel_loop3A_29, %parallel_loop3A_48 : i32
      %parallel_loop3A_50 = arith.index_cast %parallel_loop3A_49 : i32 to index
      %parallel_loop3A_51 = tpu.vector_load %arg4[%parallel_loop3A_50] {strides = array<i32>} : memref<1024xf32, #tpu.memory_space<vmem>>, vector<16xf32>,
      %parallel_loop3A_52 = arith.constant 4 : i32
      %parallel_loop3A_53 = vector.broadcast %parallel_loop3A_52 : i32 to vector<16xi32>
      %parallel_loop3A_54 = arith.muli %iota3A, %parallel_loop3A_53 : vector<16xi32>
      %parallel_loop3A_55 = arith.constant 2 : i32
      %parallel_loop3A_56 = arith.addi %parallel_loop3A_31, %parallel_loop3A_55 : i32
      %parallel_loop3A_57 = vector.broadcast %parallel_loop3A_56 : i32 to vector<16xi32>
      %parallel_loop3A_58 = arith.addi %parallel_loop3A_54, %parallel_loop3A_57 : vector<16xi32>
      tpu.vector_store_idx %arg5[%parallel_loop3A_58], %parallel_loop3A_51 : memref<4096xf32, #tpu.memory_space<vmem>>[vector<16xi32>], vector<16xf32>,
    } {sc.loop_unroll_factor = 2 : i64, sc.parallel_access}
    %mul3A_27 = arith.constant 4096 : i32
    %mul3A_28 = arith.muli %arg1, %mul3A_27 : i32
    "tpu.region"() ({
      %run_scoped3A = tpu.sem_alloc : memref<!tpu.dma_semaphore, #tpu.memory_space<semaphore_mem>>
      %dma_start3A = tpu.memref_slice %arg3[%mul3A_28] : memref<65536xf32, #tpu.memory_space<hbm>> -> memref<4096xf32, #tpu.memory_space<hbm>>
      %dma_start3A_29 = tpu.memref_slice %arg3[%mul3A_28] : memref<65536xf32, #tpu.memory_space<hbm>> -> memref<4096xf32, #tpu.memory_space<hbm>>
      tpu.enqueue_dma source(%arg5 : memref<4096xf32, #tpu.memory_space<vmem>>) target(%dma_start3A_29 : memref<4096xf32, #tpu.memory_space<hbm>>) target_semaphore(%run_scoped3A : memref<!tpu.dma_semaphore, #tpu.memory_space<semaphore_mem>>)
      %dma_wait3A = tpu.memref_slice %arg3[%mul3A_28] : memref<65536xf32, #tpu.memory_space<hbm>> -> memref<4096xf32, #tpu.memory_space<hbm>>
      %dma_wait3A_30 = tpu.memref_slice %arg3[%mul3A_28] : memref<65536xf32, #tpu.memory_space<hbm>> -> memref<4096xf32, #tpu.memory_space<hbm>>
      tpu.wait_dma2 semaphore(%run_scoped3A : memref<!tpu.dma_semaphore, #tpu.memory_space<semaphore_mem>>) src(%arg5 : memref<4096xf32, #tpu.memory_space<vmem>>) dst(%dma_wait3A_30 : memref<4096xf32, #tpu.memory_space<hbm>>)
      tpu.yield
    }) : () -> ()
    return
  }
}

</mosaic_0001>

<sc_bundles>
// kernel: kernel.3.cloned.1.call-start
scs
__scs_entry_jumppad:
0x0: {  	(pc) =	sbr.rel $0x88, $3  }
0x1: {  	(tag) =	ssettag $0x0;
	lr =	simm.s32 $0x1  }
0x2: {  	[smem:$0x3FA0] =	sst lr;
	_ =	strace $0xD0000000  }
0x3: {  	_ = 	snop  }
0x4: {  	_ = 	snop  }
0x5: {  	_ = 	snop  }
0x6: {  	_ = 	snop  }
0x7: {  	_ = 	snop  }
__scs_overlays_trampoline_lowered:
0x8: {  	[smem:$0x3FAF] =	sst s0  }
0x9: {  	[smem:$0x3FB0] =	sst s1  }
0xa: {  	[smem:$0x3FB1] =	sst s2  }
0xb: {  	[smem:$0x3FB2] =	sst s3  }
0xc: {  	[smem:$0x3FB3] =	sst s4  }
0xd: {  	[smem:$0x3FB4] =	sst s5  }
0xe: {  	[smem:$0x3FB5] =	sst s6  }
0xf: {  	[smem:$0x3FB6] =	sst s7  }
0x10: {  	[smem:$0x3FB7] =	sst s8  }
0x11: {  	[smem:$0x3FB8] =	sst s9;
	s0 =	simm.s32 @!p0 $0x0  }
0x12: {  	s1 =	sld [smem:$0x3F9E];
	s0 =	simm.s32 @p0 $0x1  }
0x13: {  	[smem:$0x3FB9] =	sst s0;
	s0 =	simm.s32 @!p1 $0x0  }
0x14: {  	s2 =	sld [smem:$0x3F9D];
	s0 =	simm.s32 @p1 $0x1  }
0x15: {  	[smem:$0x3FBA] =	sst s0;
	s0 =	simm.s32 @!p2 $0x0  }
0x16: {  	s3 =	sld [smem:$0x3FDB];
	s0 =	simm.s32 @p2 $0x1  }
0x17: {  	s4 =	simm.s32 $0x1BF5;
	[smem:$0x3FBC] =	sst s0  }
0x18: {  	s0 =	sld [smem:$0x3F9F];
	_ =	swait.ge [sflag:s4], $0x0  }
0x19: {  	s7 =	sld [smem:$0x3FA0]  }
0x1a: {  	s8 =	sadd.s32 $0xFFFFE003, lr  }
0x1b: {  	s9 =	sadd.s32 $0xFFFFFEF7, lr;
	s5 =	simm.s32 $0xFFFFFFFF;
	p2 =	slt.u32 s8, $0xFFFFF086  }
0x1c: {  	p1 =	slt.u32 s9, $0xF7A;
	s5 =	simm.s32 @!p2 $0x0  }
0x1d: {  	s5 =	simm.s32 @p1 $0x1;
	p0 =	seq.s32 s7, s2  }
0x1e: {  	s7 =	smul.u32 @!p0 $0xF7A, s2;
	p2 =	seq.s32 @!p0 s5, $0x0  }
0x1f: {  	s9 =	smul.u32 $0xF7A, s1;
	s8 =	simm.s32 @!p0 $0x1BF5;
	p2 =	por !p2, p0  }
0x20: {  	[sflag:s8] =	ssyncset.s32 @!p0 $0xFFFFF086;
	s6 =	sadd.s32 @!p0 s3, s7;
	s7 =	simm.s32 @!p0 $0x108  }
0x21: {  	s3 =	sadd.s32 s3, s9;
	s6 =	sadd.s32 @!p0 $0x88, s6;
	s7 =	simm.s32 @p2 $0x1082  }
0x22: {  	[simem:s7], [sflag:s8] =	dma.local @!p0 [hbm:s6], $0xF7A  }
0x23: {  	s9 =	sor.u32 $0xD0000000, s2;
	s6 =	simm.s32 $0x108;
	_ =	swait.ge @!p0 [sflag:s8], $0x0  }
0x24: {  	s3 =	sadd.s32 $0x88, s3;
	s6 =	simm.s32 @!p1 $0x1082;
	[sflag:s4] =	ssyncset.s32 $0xFFFFF086  }
0x25: {  	[simem:s6], [sflag:s4] =	dma.local [hbm:s3], $0xF7A  }
0x26: {  	[smem:$0x3FA0] =	sst s1;
	(tag) =	ssettag s2;
	_ =	strace s9  }
0x27: {  	s1 =	sld [smem:$0x3FB0]  }
0x28: {  	s2 =	sld [smem:$0x3FB1]  }
0x29: {  	s4 =	sld [smem:$0x3FB3]  }
0x2a: {  	p0 =	seq.s32 s5, $0x0;
	s5 =	sld [smem:$0x3FB4]  }
0x2b: {  	s6 =	sld [smem:$0x3FB5]  }
0x2c: {  	s7 =	sld [smem:$0x3FB6]  }
0x2d: {  	s3 =	simm.s32 $0x108;
	s8 =	sld [smem:$0x3FB7]  }
0x2e: {  	s3 =	simm.s32 @!p0 $0x1082;
	s9 =	sld [smem:$0x3FB8]  }
0x2f: {  	lr =	sadd.s32 s0, s3;
	s0 =	sld [smem:$0x3FAF]  }
0x30: {  	s3 =	sld [smem:$0x3FB2]  }
0x31: {  	[smem:$0x3FBB] =	sst s10  }
0x32: {  	s10 =	sld [smem:$0x3FB9];
	_ =	sdelay $0x3  }
0x33: {  	p0 =	seq.s32 s10, $0x1;
	s10 =	sld [smem:$0x3FBB];
	_ =	sdelay $0x3  }
0x34: {  	[smem:$0x3FBB] =	sst s10  }
0x35: {  	s10 =	sld [smem:$0x3FBA];
	_ =	sdelay $0x3  }
0x36: {  	p1 =	seq.s32 s10, $0x1;
	s10 =	sld [smem:$0x3FBB];
	_ =	sdelay $0x3  }
0x37: {  	[smem:$0x3FBB] =	sst s10  }
0x38: {  	s10 =	sld [smem:$0x3FBC]  }
0x39: {  	_ = 	snop;
	(pc) =	sbr.ind lr, $3  }
0x3a: {  	_ = 	snop  }
0x3b: {  	_ = 	snop  }
0x3c: {  	p2 =	seq.s32 s10, $0x1;
	s10 =	sld [smem:$0x3FBB]  }
0x3d: {  	_ =	shalt  }
0x3e: {  	_ =	shalt  }
0x3f: {  	_ =	shalt  }
0x40: {  	_ =	shalt  }
0x41: {  	_ =	shalt  }
0x42: {  	_ =	shalt  }
0x43: {  	_ =	shalt  }
0x44: {  	_ =	shalt  }
0x45: {  	_ =	shalt  }
0x46: {  	_ =	shalt  }
0x47: {  	_ =	shalt  }
0x48: {  	_ =	shalt  }
0x49: {  	_ =	shalt  }
0x4a: {  	_ =	shalt  }
0x4b: {  	_ =	shalt  }
0x4c: {  	_ =	shalt  }
0x4d: {  	_ =	shalt  }
0x4e: {  	_ =	shalt  }
0x4f: {  	_ =	shalt  }
0x50: {  	_ =	shalt  }
0x51: {  	_ =	shalt  }
0x52: {  	_ =	shalt  }
0x53: {  	_ =	shalt  }
0x54: {  	_ =	shalt  }
0x55: {  	_ =	shalt  }
0x56: {  	_ =	shalt  }
0x57: {  	_ =	shalt  }
0x58: {  	_ =	shalt  }
0x59: {  	_ =	shalt  }
0x5a: {  	_ =	shalt  }
0x5b: {  	_ =	shalt  }
0x5c: {  	_ =	shalt  }
0x5d: {  	_ =	shalt  }
0x5e: {  	_ =	shalt  }
0x5f: {  	_ =	shalt  }
0x60: {  	_ =	shalt  }
0x61: {  	_ =	shalt  }
0x62: {  	_ =	shalt  }
0x63: {  	_ =	shalt  }
0x64: {  	_ =	shalt  }
0x65: {  	_ =	shalt  }
0x66: {  	_ =	shalt  }
0x67: {  	_ =	shalt  }
0x68: {  	_ =	shalt  }
0x69: {  	_ =	shalt  }
0x6a: {  	_ =	shalt  }
0x6b: {  	_ =	shalt  }
0x6c: {  	_ =	shalt  }
0x6d: {  	_ =	shalt  }
0x6e: {  	_ =	shalt  }
0x6f: {  	_ =	shalt  }
0x70: {  	_ =	shalt  }
0x71: {  	_ =	shalt  }
0x72: {  	_ =	shalt  }
0x73: {  	_ =	shalt  }
0x74: {  	_ =	shalt  }
0x75: {  	_ =	shalt  }
0x76: {  	_ =	shalt  }
0x77: {  	_ =	shalt  }
0x78: {  	_ =	shalt  }
0x79: {  	_ =	shalt  }
0x7a: {  	_ =	shalt  }
0x7b: {  	_ =	shalt  }
0x7c: {  	_ =	shalt  }
0x7d: {  	_ =	shalt  }
0x7e: {  	_ =	shalt  }
0x7f: {  	_ =	shalt  }
0x80: {  	_ =	shalt  }
0x81: {  	_ =	shalt  }
0x82: {  	_ =	shalt  }
0x83: {  	_ =	shalt  }
0x84: {  	_ =	shalt  }
0x85: {  	_ =	shalt  }
0x86: {  	_ =	shalt  }
0x87: {  	_ =	shalt  }
.Lfunc_end0:
.L_simem_size_0:
called_computation_lowered:
.L_overlay_start_0:
0x88: {  	s0 =	sld [smem:$0x3FD9]  }
0x89: {  	s1 =	sld [smem:$0x3FFE];
	_ =	sdelay $0x3  }
0x8a: {  	s0 =	sadd.s32 s1, s0  }
0x8b: {  	[smem:$0x3FC7] =	sst s0  }
0x8c: {  	_ = 	snop  }
0x8d: {  	s0 =	sld [smem:$0x3FC9]  }
0x8e: {  	s17 =	sld [smem:$0x3FD0];
	(tm) =	ssettm $0x1  }
0x8f: {  	s2 =	sld [smem:$0x3FFB];
	_ =	sdelay $0x3  }
0x90: {  	_ =	strace s2  }
0x91: {  	s2 =	sld [smem:$0x3FFC];
	_ =	sdelay $0x3  }
0x92: {  	_ =	strace s2  }
0x93: {  	s2 =	sld [smem:$0x3FFD];
	_ =	sdelay $0x3  }
0x94: {  	_ =	strace s2  }
0x95: {  	_ =	strace $0x8FFFFFFF  }
0x96: {  	s18 =	sld [smem:$0x3FDB];
	_ =	sdelay $0x1  }
0x97: {  	s3 =	simm.s32 $_scs_section_size  }
0x98: {  	s4 =	simm.s32 $_size__tile_overlayer_lowered;
	s5 =	simm.s32 $_tile_overlayer_lowered  }
0x99: {  	s21 =	simm.s32 $0x1BFF;
	s20 =	sshll.u32 s5, $0x1;
	s2 =	sadd.s32 s3, s18  }
0x9a: {  	s6 =	simm.s32 $0x0;
	s19 =	sshll.u32 s4, $0x1;
	s4 =	sadd.s32 s20, s2  }
0x9b: {  	[timem:s6], [sflag:s21] =	dma.local [hbm:s4], s19  }
0x9c: {  	_ =	swait.ge [sflag:s21], s19  }
0x9d: {  	s3 =	ssub.s32 $0x0, s19;
	[sflag:s21] =	ssyncset.done $0x0  }
0x9e: {  	[sflag:s21] =	ssyncadd.s32 s3;
	_ =	sdelay $0x1  }
0x9f: {  	s22 =	simm.s32 $0x1B8B  }
0xa0: {  	_ =	swait.ge [sflag:s22], $0x1  }
0xa1: {  	[sflag:s22] =	ssyncset.done $0x0  }
0xa2: {  	s23 =	simm.s32 $0x1B8E;
	[sflag:s22] =	ssyncadd.s32 $0xFFFFFFFF  }
0xa3: {  	s24 =	simm.s32 $execute0_lowered;
	[smem:$0x3FD2] =	sst s23  }
0xa4: {  	s3 =	sshll.u32 s24, $0x1;
	_ =	strace $0x80000046;
	[dreg:$0x1] =	wrdreg $0xFFFFFFFF  }
0xa5: {  	s25 =	simm.s32 $_size_execute0_lowered;
	s2 =	sadd.s32 s2, s3;
	[dreg:$0x0] =	wrdreg $0x0  }
0xa6: {  	s3 =	sshll.u32 s25, $0x1;
	[dreg:$0x2] =	wrdreg s2  }
0xa7: {  	[dreg:$0x3] =	wrdreg s3  }
0xa8: {  	[dreg:$0x4] =	wrdreg $0xC0  }
0xa9: {  	_ =	task [dreg:s6], $0x5FFFF  }
0xaa: {  	[dreg:$0x1] =	wrdreg $0xFFFFFFFF  }
0xab: {  	[dreg:$0x0] =	wrdreg $0x60  }
0xac: {  	[dreg:$0x2] =	wrdreg s0  }
0xad: {  	[dreg:$0x3] =	wrdreg s17  }
0xae: {  	[dreg:$0x4] =	wrdreg $0x9  }
0xaf: {  	_ =	task.clear_ibuf [dreg:s6], $0x5FFFF;
	_ =	strace $0x90000046  }
0xb0: {  	s26 =	simm.s32 $0x9;
	_ =	strace $0x80000048  }
0xb1: {  	_ =	swait.ge [sflag:s26], $0x1  }
0xb2: {  	[sflag:s26] =	ssyncadd.s32 $0xFFFFFFFF  }
0xb3: {  	_ =	strace $0x90000048  }
0xb4: {  	_ =	sfence  }
0xb5: {  	s28 =	sld [smem:$0x0];
	_ =	sdelay $0x1  }
0xb6: {  	s29 =	srdreg.scid  }
0xb7: {  	s30 =	sshll.u32 s29, $0xD;
	s31 =	sshrl.u32 s29, $0x2  }
0xb8: {  	s1 =	sand.u32 $0x1, s29;
	s2 =	sand.u32 $0x4000, s30;
	s0 =	sadd.s32 s31, s28  }
0xb9: {  	s1 =	sor.u32 s2, s1;
	s0 =	sshll.u32 s0, $0x11  }
0xba: {  	s0 =	sor.u32 s0, s1  }
0xbb: {  	s0 =	sadd.s32 $0x8F2B, s0  }
0xbc: {  	[sflag:s0] =	ssyncadd.remote.s32 $0x1  }
0xbd: {  	_ =	sfence.sel $0xFFFF  }
0xbe: {  	[dreg:$0x0] =	wrdreg $0xFFFFFFFF;
	(pc) =	sbr.abs _section_cstart, $3  }
0xbf: {  	[dreg:$0x1] =	wrdreg $0xFFFFFFFF  }
0xc0: {  	_ =	task.clear_ibuf [dreg:s6], $0x2FFFF;
	_ =	strace $0x9FFFFFFF  }
0xc1: {  	(tm) =	ssettm $0x7FFFFFFF  }
tec
execute0_lowered:
.L_overlay_start_1:
0x0: {  	(tag) =	ssettag $0x1  }
0x1: {  	s3 =	rddreg [dreg:$0x0]  }
0x2: {  	s2 =	rddreg [dreg:$0x1]  }
0x3: {  	s0 =	rddreg [dreg:$0x2];
	s4 =	simm.s32 $0x0;
	s1 =	stileid.u32  }
0x4: {  	[smem:$0x7FF] =	sst s4;
	s5 =	sshll.u32 s1, $0x7  }
0x5: {  	v0 =	vimm.f32 $1.000000000e+00;
	vm0 =	vcmask $0xB04;
	s31 =	simm.s32 $0x1;
	_ =	strace $0x80000047;
	s3 =	sadd.s32 s3, s5  }
0x6: {  	vm13 =	vcmask $0x1B14;
	v0 =	vsel vm0, $0x0, v0;
	[tilespmem:s4], [sflag:$0x1] =	stream.linear.gather [hbm4b:s3+s4], $0x400, $0x38;
	[tilespmem:$0x1400] =	vst v63  }
0x7: {  	vm14 =	vcmask $0x2B24;
	v0 =	vsel vm13, $0x0, v0;
	_ =	swait.ge [sflag:s31], $0x400  }
0x8: {  	vm15 =	vcmask $0x3B34;
	v0 =	vsel vm14, $0x0, v0;
	[sflag:s31] =	ssyncset.done $0x0  }
0x9: {  	v1 =	vmov s4;
	s3 =	simm.s32 $0x440;
	v0 =	vsel vm15, $0x0, v0;
	[sflag:s31] =	ssyncadd.s32 $0xFFFFFC00  }
0xa: {  	v2 =	vlaneseq.u32;
	v1 =	vshrl.u32 v1, $0x7;
	[tilespmem:s3+$0x0] =	vst v0  }
0xb: {  	v2 =	vmul.u32 $0x4, v2;
	v1 =	vshll.u32 v1, $0x7;
	[tilespmem:s3+$0x10] =	vst v0  }
0xc: {  	v4 =	vbroadcast v1, $0x0;
	[tilespmem:s3+$0x20] =	vst v0  }
0xd: {  	s6 =	simm.s32 $0x0;
	v1 =	vor.u32 $0x2, v2;
	v2 =	vor.u32 $0x42, v2;
	[tilespmem:s3+$0x30] =	vst v0  }
0xe: {  	v6 =	vor.u32 v2, v4;
	[tilespmem:s3+$0xFFFFFFD0] =	vst v0;
	v5 =	vld [tilespmem:s6+$0x10]  }
0xf: {  	[tilespmem:s3+$0xFFFFFFE0] =	vst v0  }
0x10: {  	[tilespmem:s3+$0xFFFFFFF0] =	vst v0  }
0x11: {  	[tilespmem:s3+$0xFFFFFFC0] =	vst v0  }
0x12: {  	s5 =	simm.s32 $0x0;
	s4 =	simm.s32 $0x400;
	v3 =	vor.u32 v1, v4;
	v4 =	vld [tilespmem:s6+$0x0];
	s6 =	simm.s32 $0x80  }
.LBB2_1:
0x13: {  	v7 =	vmov s6;
	s5 =	sadd.s32 $0x2, s5;
	[tilespmem:v6+s4+$0x0] =	vst.idx.msk $0xffff, v5;
	s3 =	sadd.s32 $0x80, s3  }
0x14: {  	v5 =	vshrl.u32 v7, $0x7;
	[tilespmem:s3+$0x0] =	vst v0;
	p0 =	slt.u32 s5, $0x3E  }
0x15: {  	v5 =	vshll.u32 v5, $0x7;
	[tilespmem:s3+$0x10] =	vst v0  }
0x16: {  	v6 =	vbroadcast v5, $0x0;
	[tilespmem:s3+$0x20] =	vst v0  }
0x17: {  	s7 =	sshra.s32 s6, $0x2;
	[tilespmem:s3+$0x30] =	vst v0  }
.Ltmp0:
0x18: {  	[tilespmem:s3+$0xFFFFFFD0] =	vst v0;
	v7 =	vor.u32 v1, v6;
	v5 =	vld [tilespmem:s7+$0x10];
	v6 =	vor.u32 v2, v6;
	(pc) =	sbr.rel @p0 .LBB2_1-.Ltmp0, $4  }
0x19: {  	[tilespmem:s3+$0xFFFFFFE0] =	vst v0  }
0x1a: {  	[tilespmem:s3+$0xFFFFFFF0] =	vst v0  }
0x1b: {  	[tilespmem:s3+$0xFFFFFFC0] =	vst v0  }
0x1c: {  	s6 =	sadd.s32 $0x80, s6;
	[tilespmem:v3+s4+$0x0] =	vst.idx.msk $0xffff, v4;
	v4 =	vld [tilespmem:s7+$0x0];
	v3 =	vmov v7  }
0x1d: {  	_ =	sdelay $0x3  }
0x1e: {  	[tilespmem:v6+s4+$0x0] =	vst.idx.msk $0xffff, v5;
	s3 =	sshll.u32 s1, $0x9;
	s29 =	simm.s32 $0x0  }
0x1f: {  	s30 =	simm.s32 $0x400;
	s31 =	simm.s32 $0x1;
	s2 =	sadd.s32 s2, s3;
	[tilespmem:v3+s4+$0x0] =	vst.idx.msk $0xffff, v4  }
0x20: {  	[hbm4b:s2+s29] =	stream.linear.scatter [tilespmem:s30], [sflag:$0x1], $0x1000, $0x38;
	[tilespmem:$0x1400] =	vst v63  }
0x21: {  	_ =	swait.ge [sflag:s31], $0x1000  }
0x22: {  	[sflag:s31] =	ssyncset.done $0x0  }
0x23: {  	[sflag:s31] =	ssyncadd.s32 $0xFFFFF000  }
0x24: {  	_ =	sfence.sel $0x180000  }
0x25: {  	[bflag:$0x0] =	sbarrier.arrive $0xFFFF  }
0x26: {  	p0 =	sne.s32 s1, $0x0;
	_ =	strace $0x90000047  }
0x27: {  	s0 =	sadd.s32 @!p0 $0x100000, s0;
	[bflag:$0x2] =	sbarrier.arrive $0xFFFF  }
0x28: {  	[sflag:s0] =	ssyncadd.tile.s32 @!p0 $0x1;
	_ =	shalt  }
.Lfunc_end2:
_tile_overlayer_lowered:
.L_overlay_start_2:
0x29: {  	(tag) =	ssettag $0x2  }
0x2a: {  	s0 =	rddreg [dreg:$0x0];
	s2 =	stileid.u32  }
0x2b: {  	s1 =	rddreg [dreg:$0x1];
	p0 =	sne.s32 s2, $0x0  }
0x2c: {  	s3 =	rddreg [dreg:$0x2];
	[bflag:$0x3] =	sbarrier.arrive $0xFFFF;
	s2 =	simm.s32 @!p0 $0x1C01  }
0x2d: {  	[timem:s3], [sflag:s2] =	dma.local @!p0 [hbm:s0], s1  }
0x2e: {  	s0 =	simm.s32 @!p0 $0x1  }
0x2f: {  	_ =	swait.ge @!p0 [sflag:s0], s1  }
0x30: {  	s1 =	ssub.s32 @!p0 $0x0, s1;
	[sflag:s0] =	ssyncset.done @!p0 $0x0  }
0x31: {  	[sflag:s0] =	ssyncadd.s32 @!p0 s1  }
0x32: {  	[bflag:$0x3] =	sbarrier.arrive $0xFFFF  }
0x33: {  	_ =	shalt  }

</sc_bundles>
